<compile_context>
chip_gen: v7x
topology: tpu7x:2x2x1
jax: 0.10.2.dev20260603
libtpu: 0.0.44.dev20260713+nightly
codegen_flags: <defaults>
</compile_context>

<pallas_src>
import functools

import jax
import jax.numpy as jnp
from jax import lax
from jax.experimental import pallas as pl
from jax.experimental.pallas import tpu as pltpu
from jax.experimental.pallas import tpu_sc as plsc

B = 65536
NW = 32
BPW = B // NW
CH = 128
NCH = BPW // CH
L = 16
N = 100000


def _sc_coord_loss(pidx, btf, gtf):
    mesh = plsc.VectorSubcoreMesh(core_axis_name="c", subcore_axis_name="s")

    @functools.partial(
        pl.kernel,
        out_type=jax.ShapeDtypeStruct((NW, L), jnp.float32),
        mesh=mesh,
        compiler_params=pltpu.CompilerParams(
            needs_layout_passes=False, use_tc_tiling_on_sc=False),
        scratch_types=[
            pltpu.VMEM((BPW,), jnp.int32),
            pltpu.VMEM((BPW,), jnp.int32),
            pltpu.VMEM((4 * BPW,), jnp.float32),
            pltpu.VMEM((4 * BPW,), jnp.float32),
            pltpu.VMEM((L,), jnp.float32),
            pltpu.SemaphoreType.DMA,
            pltpu.SemaphoreType.DMA,
            pltpu.SemaphoreType.DMA,
        ],
    )
    def body(idx_hbm, btf_hbm, gtf_hbm, out_hbm,
             pidx_v, gidx_v, pcol_v, gcol_v, acc_v, psem, gsem, isem):
        c = lax.axis_index("c")
        s = lax.axis_index("s")
        wid = s * 2 + c

        stage_p = pltpu.async_copy(
            idx_hbm.at[pl.ds(wid * BPW, BPW)], pidx_v, isem)
        stage_g = pltpu.async_copy(
            idx_hbm.at[pl.ds(B + wid * BPW, BPW)], gidx_v, isem)

        stage_p.wait()
        for k in range(4):
            src = btf_hbm.at[pl.ds(k * N, N)].at[pidx_v]
            pltpu.async_copy(src, pcol_v.at[pl.ds(k * BPW, BPW)], psem)
        stage_g.wait()
        for k in range(4):
            src = gtf_hbm.at[pl.ds(k * N, N)].at[gidx_v]
            pltpu.async_copy(src, gcol_v.at[pl.ds(k * BPW, BPW)], gsem)

        pltpu.make_async_copy(btf_hbm.at[pl.ds(0, 4 * BPW)], pcol_v, psem).wait()
        pltpu.make_async_copy(gtf_hbm.at[pl.ds(0, 4 * BPW)], gcol_v, gsem).wait()

        def step(j, acc):
            base = j * L
            px = pcol_v[pl.ds(base, L)]
            py = pcol_v[pl.ds(base + BPW, L)]
            pz = pcol_v[pl.ds(base + 2 * BPW, L)]
            pw = pcol_v[pl.ds(base + 3 * BPW, L)]
            gx = gcol_v[pl.ds(base, L)]
            gy = gcol_v[pl.ds(base + BPW, L)]
            gw = gcol_v[pl.ds(base + 2 * BPW, L)]
            gh = gcol_v[pl.ds(base + 3 * BPW, L)]
            t = (jnp.abs(px - gx) + jnp.abs(py - gy)
                 + jnp.abs(pz - (gx + gw)) + jnp.abs(pw - (gy + gh)))
            return acc + t

        acc = lax.fori_loop(0, BPW // L, step, jnp.zeros((L,), jnp.float32))
        acc_v[...] = acc
        pltpu.sync_copy(acc_v, out_hbm.at[wid])

    return body(pidx, btf, gtf)


def kernel(boxes, gt, positive_idx):
    idx_flat = positive_idx.T.reshape(-1)
    partials = _sc_coord_loss(idx_flat, boxes.T.reshape(-1), gt.T.reshape(-1))
    return jnp.sum(partials) * (1.0 / (B * 4))

# --- scband reference (transcript-rebuilt; emitter-appended) ---
"""Pipeline reference for scband-coord-loss-61675730370852 (READ-ONLY COPY).

The authoritative reference and input builder live on the scoring server;
editing this copy changes nothing except your own understanding.
"""

import jax, jax.numpy as jnp
import numpy as np


def setup_inputs(seed: int = 0) -> dict:
    key = jax.random.key(seed)
    k1, k2, k3 = jax.random.split(key, 3)
    boxes = jax.random.normal(k1, (100000, 4), dtype=jnp.float32)
    gt = jax.random.uniform(k2, (100000, 4), dtype=jnp.float32)
    positive_idx = jax.random.randint(k3, (65536, 2), 0, 100000, dtype=jnp.int64 if jax.config.jax_enable_x64 else jnp.int32).astype(jnp.int32)
    return {"boxes": boxes, "gt": gt, "positive_idx": positive_idx}


def from_xywh_to_xyxy(b):
    xmin = b[:, 0:1]
    ymin = b[:, 1:2]
    xmax = xmin + b[:, 2:3]
    ymax = ymin + b[:, 3:4]
    return jnp.concatenate((xmin, ymin, xmax, ymax), axis=1)


def reference(boxes, gt, positive_idx):
    pred_idx = positive_idx[:, 0]
    gt_idx = positive_idx[:, 1]
    selected_pred = jnp.take(boxes, pred_idx, axis=0)
    selected_gt = jnp.take(gt, gt_idx, axis=0)
    selected_gt = from_xywh_to_xyxy(selected_gt)
    coord_loss = jnp.mean(jnp.abs(selected_pred - selected_gt))
    return coord_loss

if __name__ == "__main__":
    import jax
    _d = setup_inputs()
    print(jax.jit(kernel)(*tuple(_d.values())))

</pallas_src>

<mosaic_0001>
#map = affine_map<(d0, d1) -> (0)>
#map1 = affine_map<(d0, d1) -> (0, 0)>
module attributes {stable_mosaic.version = 14 : i64} {
  func.func @body(%arg0: i32, %arg1: i32, %arg2: memref<131072xi32, #tpu.memory_space<hbm>>, %arg3: memref<400000xf32, #tpu.memory_space<hbm>>, %arg4: memref<400000xf32, #tpu.memory_space<hbm>>, %arg5: memref<32x16xf32, #tpu.memory_space<hbm>>, %arg6: memref<2048xi32, #tpu.memory_space<vmem>>, %arg7: memref<2048xi32, #tpu.memory_space<vmem>>, %arg8: memref<8192xf32, #tpu.memory_space<vmem>>, %arg9: memref<8192xf32, #tpu.memory_space<vmem>>, %arg10: memref<16xf32, #tpu.memory_space<vmem>>, %arg11: memref<!tpu.dma_semaphore, #tpu.memory_space<semaphore_mem>>, %arg12: memref<!tpu.dma_semaphore, #tpu.memory_space<semaphore_mem>>, %arg13: memref<!tpu.dma_semaphore, #tpu.memory_space<semaphore_mem>>) attributes {dimension_semantics = [#tpu.dimension_semantics<core_parallel>, #tpu.dimension_semantics<subcore_parallel>], iteration_bounds = array<i64: 2, 16>, scalar_prefetch = 0 : i64, scratch_operands = 8 : i64, tpu.core_type = #tpu.core_type<sc_vector_subcore>, window_params = [{transform_indices = #map}, {transform_indices = #map}, {transform_indices = #map}, {transform_indices = #map1}]} {
    %mul3A = arith.constant 2 : i32
    %mul3A_0 = arith.muli %arg1, %mul3A : i32
    %add3A = arith.addi %mul3A_0, %arg0 : i32
    %mul3A_1 = arith.constant 2048 : i32
    %mul3A_2 = arith.muli %add3A, %mul3A_1 : i32
    %dma_start3A = tpu.memref_slice %arg2[%mul3A_2] : memref<131072xi32, #tpu.memory_space<hbm>> -> memref<2048xi32, #tpu.memory_space<hbm>>
    %dma_start3A_3 = tpu.memref_slice %arg2[%mul3A_2] : memref<131072xi32, #tpu.memory_space<hbm>> -> memref<2048xi32, #tpu.memory_space<hbm>>
    tpu.enqueue_dma source(%dma_start3A_3 : memref<2048xi32, #tpu.memory_space<hbm>>) target(%arg6 : memref<2048xi32, #tpu.memory_space<vmem>>) target_semaphore(%arg13 : memref<!tpu.dma_semaphore, #tpu.memory_space<semaphore_mem>>)
    %mul3A_4 = arith.constant 2048 : i32
    %mul3A_5 = arith.muli %add3A, %mul3A_4 : i32
    %add3A_6 = arith.constant 65536 : i32
    %add3A_7 = arith.addi %add3A_6, %mul3A_5 : i32
    %dma_start3A_8 = tpu.memref_slice %arg2[%add3A_7] : memref<131072xi32, #tpu.memory_space<hbm>> -> memref<2048xi32, #tpu.memory_space<hbm>>
    %dma_start3A_9 = tpu.memref_slice %arg2[%add3A_7] : memref<131072xi32, #tpu.memory_space<hbm>> -> memref<2048xi32, #tpu.memory_space<hbm>>
    tpu.enqueue_dma source(%dma_start3A_9 : memref<2048xi32, #tpu.memory_space<hbm>>) target(%arg7 : memref<2048xi32, #tpu.memory_space<vmem>>) target_semaphore(%arg13 : memref<!tpu.dma_semaphore, #tpu.memory_space<semaphore_mem>>)
    %dma_wait3A = tpu.memref_slice %arg2[%mul3A_2] : memref<131072xi32, #tpu.memory_space<hbm>> -> memref<2048xi32, #tpu.memory_space<hbm>>
    %dma_wait3A_10 = tpu.memref_slice %arg2[%mul3A_2] : memref<131072xi32, #tpu.memory_space<hbm>> -> memref<2048xi32, #tpu.memory_space<hbm>>
    tpu.wait_dma2 semaphore(%arg13 : memref<!tpu.dma_semaphore, #tpu.memory_space<semaphore_mem>>) src(%dma_wait3A_10 : memref<2048xi32, #tpu.memory_space<hbm>>) dst(%arg6 : memref<2048xi32, #tpu.memory_space<vmem>>)
    %dma_start3A_11 = arith.constant 0 : i32
    %dma_start3A_12 = tpu.memref_slice %arg8[%dma_start3A_11] : memref<8192xf32, #tpu.memory_space<vmem>> -> memref<2048xf32, #tpu.memory_space<vmem>>
    %dma_start3A_13 = arith.constant 0 : i32
    %dma_start3A_14 = tpu.memref_slice %arg3[%dma_start3A_13] : memref<400000xf32, #tpu.memory_space<hbm>> -> memref<100000xf32, #tpu.memory_space<hbm>>
    %dma_start3A_15 = arith.constant 0 : i32
    %dma_start3A_16 = tpu.memref_slice %dma_start3A_14[%dma_start3A_15] : memref<100000xf32, #tpu.memory_space<hbm>> -> memref<100000xf32, #tpu.memory_space<hbm>>
    tpu.enqueue_indirect_dma source(%dma_start3A_16 : memref<100000xf32, #tpu.memory_space<hbm>>) target(%dma_start3A_12 : memref<2048xf32, #tpu.memory_space<vmem>>) offsets(%arg6 : memref<2048xi32, #tpu.memory_space<vmem>>) semaphore(%arg11 : memref<!tpu.dma_semaphore, #tpu.memory_space<semaphore_mem>>)
    %dma_start3A_17 = arith.constant 2048 : i32
    %dma_start3A_18 = tpu.memref_slice %arg8[%dma_start3A_17] : memref<8192xf32, #tpu.memory_space<vmem>> -> memref<2048xf32, #tpu.memory_space<vmem>>
    %dma_start3A_19 = arith.constant 100000 : i32
    %dma_start3A_20 = tpu.memref_slice %arg3[%dma_start3A_19] : memref<400000xf32, #tpu.memory_space<hbm>> -> memref<100000xf32, #tpu.memory_space<hbm>>
    %dma_start3A_21 = arith.constant 0 : i32
    %dma_start3A_22 = tpu.memref_slice %dma_start3A_20[%dma_start3A_21] : memref<100000xf32, #tpu.memory_space<hbm>> -> memref<100000xf32, #tpu.memory_space<hbm>>
    tpu.enqueue_indirect_dma source(%dma_start3A_22 : memref<100000xf32, #tpu.memory_space<hbm>>) target(%dma_start3A_18 : memref<2048xf32, #tpu.memory_space<vmem>>) offsets(%arg6 : memref<2048xi32, #tpu.memory_space<vmem>>) semaphore(%arg11 : memref<!tpu.dma_semaphore, #tpu.memory_space<semaphore_mem>>)
    %dma_start3A_23 = arith.constant 4096 : i32
    %dma_start3A_24 = tpu.memref_slice %arg8[%dma_start3A_23] : memref<8192xf32, #tpu.memory_space<vmem>> -> memref<2048xf32, #tpu.memory_space<vmem>>
    %dma_start3A_25 = arith.constant 200000 : i32
    %dma_start3A_26 = tpu.memref_slice %arg3[%dma_start3A_25] : memref<400000xf32, #tpu.memory_space<hbm>> -> memref<100000xf32, #tpu.memory_space<hbm>>
    %dma_start3A_27 = arith.constant 0 : i32
    %dma_start3A_28 = tpu.memref_slice %dma_start3A_26[%dma_start3A_27] : memref<100000xf32, #tpu.memory_space<hbm>> -> memref<100000xf32, #tpu.memory_space<hbm>>
    tpu.enqueue_indirect_dma source(%dma_start3A_28 : memref<100000xf32, #tpu.memory_space<hbm>>) target(%dma_start3A_24 : memref<2048xf32, #tpu.memory_space<vmem>>) offsets(%arg6 : memref<2048xi32, #tpu.memory_space<vmem>>) semaphore(%arg11 : memref<!tpu.dma_semaphore, #tpu.memory_space<semaphore_mem>>)
    %dma_start3A_29 = arith.constant 6144 : i32
    %dma_start3A_30 = tpu.memref_slice %arg8[%dma_start3A_29] : memref<8192xf32, #tpu.memory_space<vmem>> -> memref<2048xf32, #tpu.memory_space<vmem>>
    %dma_start3A_31 = arith.constant 300000 : i32
    %dma_start3A_32 = tpu.memref_slice %arg3[%dma_start3A_31] : memref<400000xf32, #tpu.memory_space<hbm>> -> memref<100000xf32, #tpu.memory_space<hbm>>
    %dma_start3A_33 = arith.constant 0 : i32
    %dma_start3A_34 = tpu.memref_slice %dma_start3A_32[%dma_start3A_33] : memref<100000xf32, #tpu.memory_space<hbm>> -> memref<100000xf32, #tpu.memory_space<hbm>>
    tpu.enqueue_indirect_dma source(%dma_start3A_34 : memref<100000xf32, #tpu.memory_space<hbm>>) target(%dma_start3A_30 : memref<2048xf32, #tpu.memory_space<vmem>>) offsets(%arg6 : memref<2048xi32, #tpu.memory_space<vmem>>) semaphore(%arg11 : memref<!tpu.dma_semaphore, #tpu.memory_space<semaphore_mem>>)
    %dma_wait3A_35 = tpu.memref_slice %arg2[%add3A_7] : memref<131072xi32, #tpu.memory_space<hbm>> -> memref<2048xi32, #tpu.memory_space<hbm>>
    %dma_wait3A_36 = tpu.memref_slice %arg2[%add3A_7] : memref<131072xi32, #tpu.memory_space<hbm>> -> memref<2048xi32, #tpu.memory_space<hbm>>
    tpu.wait_dma2 semaphore(%arg13 : memref<!tpu.dma_semaphore, #tpu.memory_space<semaphore_mem>>) src(%dma_wait3A_36 : memref<2048xi32, #tpu.memory_space<hbm>>) dst(%arg7 : memref<2048xi32, #tpu.memory_space<vmem>>)
    %dma_start3A_37 = arith.constant 0 : i32
    %dma_start3A_38 = tpu.memref_slice %arg9[%dma_start3A_37] : memref<8192xf32, #tpu.memory_space<vmem>> -> memref<2048xf32, #tpu.memory_space<vmem>>
    %dma_start3A_39 = arith.constant 0 : i32
    %dma_start3A_40 = tpu.memref_slice %arg4[%dma_start3A_39] : memref<400000xf32, #tpu.memory_space<hbm>> -> memref<100000xf32, #tpu.memory_space<hbm>>
    %dma_start3A_41 = arith.constant 0 : i32
    %dma_start3A_42 = tpu.memref_slice %dma_start3A_40[%dma_start3A_41] : memref<100000xf32, #tpu.memory_space<hbm>> -> memref<100000xf32, #tpu.memory_space<hbm>>
    tpu.enqueue_indirect_dma source(%dma_start3A_42 : memref<100000xf32, #tpu.memory_space<hbm>>) target(%dma_start3A_38 : memref<2048xf32, #tpu.memory_space<vmem>>) offsets(%arg7 : memref<2048xi32, #tpu.memory_space<vmem>>) semaphore(%arg12 : memref<!tpu.dma_semaphore, #tpu.memory_space<semaphore_mem>>)
    %dma_start3A_43 = arith.constant 2048 : i32
    %dma_start3A_44 = tpu.memref_slice %arg9[%dma_start3A_43] : memref<8192xf32, #tpu.memory_space<vmem>> -> memref<2048xf32, #tpu.memory_space<vmem>>
    %dma_start3A_45 = arith.constant 100000 : i32
    %dma_start3A_46 = tpu.memref_slice %arg4[%dma_start3A_45] : memref<400000xf32, #tpu.memory_space<hbm>> -> memref<100000xf32, #tpu.memory_space<hbm>>
    %dma_start3A_47 = arith.constant 0 : i32
    %dma_start3A_48 = tpu.memref_slice %dma_start3A_46[%dma_start3A_47] : memref<100000xf32, #tpu.memory_space<hbm>> -> memref<100000xf32, #tpu.memory_space<hbm>>
    tpu.enqueue_indirect_dma source(%dma_start3A_48 : memref<100000xf32, #tpu.memory_space<hbm>>) target(%dma_start3A_44 : memref<2048xf32, #tpu.memory_space<vmem>>) offsets(%arg7 : memref<2048xi32, #tpu.memory_space<vmem>>) semaphore(%arg12 : memref<!tpu.dma_semaphore, #tpu.memory_space<semaphore_mem>>)
    %dma_start3A_49 = arith.constant 4096 : i32
    %dma_start3A_50 = tpu.memref_slice %arg9[%dma_start3A_49] : memref<8192xf32, #tpu.memory_space<vmem>> -> memref<2048xf32, #tpu.memory_space<vmem>>
    %dma_start3A_51 = arith.constant 200000 : i32
    %dma_start3A_52 = tpu.memref_slice %arg4[%dma_start3A_51] : memref<400000xf32, #tpu.memory_space<hbm>> -> memref<100000xf32, #tpu.memory_space<hbm>>
    %dma_start3A_53 = arith.constant 0 : i32
    %dma_start3A_54 = tpu.memref_slice %dma_start3A_52[%dma_start3A_53] : memref<100000xf32, #tpu.memory_space<hbm>> -> memref<100000xf32, #tpu.memory_space<hbm>>
    tpu.enqueue_indirect_dma source(%dma_start3A_54 : memref<100000xf32, #tpu.memory_space<hbm>>) target(%dma_start3A_50 : memref<2048xf32, #tpu.memory_space<vmem>>) offsets(%arg7 : memref<2048xi32, #tpu.memory_space<vmem>>) semaphore(%arg12 : memref<!tpu.dma_semaphore, #tpu.memory_space<semaphore_mem>>)
    %dma_start3A_55 = arith.constant 6144 : i32
    %dma_start3A_56 = tpu.memref_slice %arg9[%dma_start3A_55] : memref<8192xf32, #tpu.memory_space<vmem>> -> memref<2048xf32, #tpu.memory_space<vmem>>
    %dma_start3A_57 = arith.constant 300000 : i32
    %dma_start3A_58 = tpu.memref_slice %arg4[%dma_start3A_57] : memref<400000xf32, #tpu.memory_space<hbm>> -> memref<100000xf32, #tpu.memory_space<hbm>>
    %dma_start3A_59 = arith.constant 0 : i32
    %dma_start3A_60 = tpu.memref_slice %dma_start3A_58[%dma_start3A_59] : memref<100000xf32, #tpu.memory_space<hbm>> -> memref<100000xf32, #tpu.memory_space<hbm>>
    tpu.enqueue_indirect_dma source(%dma_start3A_60 : memref<100000xf32, #tpu.memory_space<hbm>>) target(%dma_start3A_56 : memref<2048xf32, #tpu.memory_space<vmem>>) offsets(%arg7 : memref<2048xi32, #tpu.memory_space<vmem>>) semaphore(%arg12 : memref<!tpu.dma_semaphore, #tpu.memory_space<semaphore_mem>>)
    %dma_wait3A_61 = arith.constant 0 : i32
    %dma_wait3A_62 = tpu.memref_slice %arg3[%dma_wait3A_61] : memref<400000xf32, #tpu.memory_space<hbm>> -> memref<8192xf32, #tpu.memory_space<hbm>>
    %dma_wait3A_63 = arith.constant 0 : i32
    %dma_wait3A_64 = tpu.memref_slice %arg3[%dma_wait3A_63] : memref<400000xf32, #tpu.memory_space<hbm>> -> memref<8192xf32, #tpu.memory_space<hbm>>
    tpu.wait_dma2 semaphore(%arg11 : memref<!tpu.dma_semaphore, #tpu.memory_space<semaphore_mem>>) src(%dma_wait3A_64 : memref<8192xf32, #tpu.memory_space<hbm>>) dst(%arg8 : memref<8192xf32, #tpu.memory_space<vmem>>)
    %dma_wait3A_65 = arith.constant 0 : i32
    %dma_wait3A_66 = tpu.memref_slice %arg4[%dma_wait3A_65] : memref<400000xf32, #tpu.memory_space<hbm>> -> memref<8192xf32, #tpu.memory_space<hbm>>
    %dma_wait3A_67 = arith.constant 0 : i32
    %dma_wait3A_68 = tpu.memref_slice %arg4[%dma_wait3A_67] : memref<400000xf32, #tpu.memory_space<hbm>> -> memref<8192xf32, #tpu.memory_space<hbm>>
    tpu.wait_dma2 semaphore(%arg12 : memref<!tpu.dma_semaphore, #tpu.memory_space<semaphore_mem>>) src(%dma_wait3A_68 : memref<8192xf32, #tpu.memory_space<hbm>>) dst(%arg9 : memref<8192xf32, #tpu.memory_space<vmem>>)
    %broadcast_in_dim3A = arith.constant 0.000000e+00 : f32
    %broadcast_in_dim3A_69 = vector.broadcast %broadcast_in_dim3A : f32 to vector<16xf32>
    %scan3A = arith.constant 0 : i32
    %scan3A_70 = arith.constant 128 : i32
    %scan3A_71 = arith.addi %scan3A, %scan3A_70 : i32
    %scan3A_72 = arith.constant 1 : i32
    %scan3A_73 = scf.for %scan3A_76 = %scan3A to %scan3A_71 step %scan3A_72 iter_args(%scan3A_77 = %broadcast_in_dim3A_69) -> (vector<16xf32>)  : i32 {
      %mul3A_78 = arith.constant 16 : i32
      %mul3A_79 = arith.muli %scan3A_76, %mul3A_78 : i32
      %get3A = arith.index_cast %mul3A_79 : i32 to index
      %get3A_80 = tpu.vector_load %arg8[%get3A] {strides = array<i32>} : memref<8192xf32, #tpu.memory_space<vmem>>, vector<16xf32>,
      %add3A_81 = arith.constant 2048 : i32
      %add3A_82 = arith.addi %mul3A_79, %add3A_81 : i32
      %get3A_83 = arith.index_cast %add3A_82 : i32 to index
      %get3A_84 = tpu.vector_load %arg8[%get3A_83] {strides = array<i32>} : memref<8192xf32, #tpu.memory_space<vmem>>, vector<16xf32>,
      %add3A_85 = arith.constant 4096 : i32
      %add3A_86 = arith.addi %mul3A_79, %add3A_85 : i32
      %get3A_87 = arith.index_cast %add3A_86 : i32 to index
      %get3A_88 = tpu.vector_load %arg8[%get3A_87] {strides = array<i32>} : memref<8192xf32, #tpu.memory_space<vmem>>, vector<16xf32>,
      %add3A_89 = arith.constant 6144 : i32
      %add3A_90 = arith.addi %mul3A_79, %add3A_89 : i32
      %get3A_91 = arith.index_cast %add3A_90 : i32 to index
      %get3A_92 = tpu.vector_load %arg8[%get3A_91] {strides = array<i32>} : memref<8192xf32, #tpu.memory_space<vmem>>, vector<16xf32>,
      %get3A_93 = arith.index_cast %mul3A_79 : i32 to index
      %get3A_94 = tpu.vector_load %arg9[%get3A_93] {strides = array<i32>} : memref<8192xf32, #tpu.memory_space<vmem>>, vector<16xf32>,
      %add3A_95 = arith.constant 2048 : i32
      %add3A_96 = arith.addi %mul3A_79, %add3A_95 : i32
      %get3A_97 = arith.index_cast %add3A_96 : i32 to index
      %get3A_98 = tpu.vector_load %arg9[%get3A_97] {strides = array<i32>} : memref<8192xf32, #tpu.memory_space<vmem>>, vector<16xf32>,
      %add3A_99 = arith.constant 4096 : i32
      %add3A_100 = arith.addi %mul3A_79, %add3A_99 : i32
      %get3A_101 = arith.index_cast %add3A_100 : i32 to index
      %get3A_102 = tpu.vector_load %arg9[%get3A_101] {strides = array<i32>} : memref<8192xf32, #tpu.memory_space<vmem>>, vector<16xf32>,
      %add3A_103 = arith.constant 6144 : i32
      %add3A_104 = arith.addi %mul3A_79, %add3A_103 : i32
      %get3A_105 = arith.index_cast %add3A_104 : i32 to index
      %get3A_106 = tpu.vector_load %arg9[%get3A_105] {strides = array<i32>} : memref<8192xf32, #tpu.memory_space<vmem>>, vector<16xf32>,
      %sub3A = arith.subf %get3A_80, %get3A_94 : vector<16xf32>
      %abs3A = math.absf %sub3A : vector<16xf32>
      %sub3A_107 = arith.subf %get3A_84, %get3A_98 : vector<16xf32>
      %abs3A_108 = math.absf %sub3A_107 : vector<16xf32>
      %add3A_109 = arith.addf %abs3A, %abs3A_108 : vector<16xf32>
      %add3A_110 = arith.addf %get3A_94, %get3A_102 : vector<16xf32>
      %sub3A_111 = arith.subf %get3A_88, %add3A_110 : vector<16xf32>
      %abs3A_112 = math.absf %sub3A_111 : vector<16xf32>
      %add3A_113 = arith.addf %add3A_109, %abs3A_112 : vector<16xf32>
      %add3A_114 = arith.addf %get3A_98, %get3A_106 : vector<16xf32>
      %sub3A_115 = arith.subf %get3A_92, %add3A_114 : vector<16xf32>
      %abs3A_116 = math.absf %sub3A_115 : vector<16xf32>
      %add3A_117 = arith.addf %add3A_113, %abs3A_116 : vector<16xf32>
      %add3A_118 = arith.addf %scan3A_77, %add3A_117 : vector<16xf32>
      scf.yield %add3A_118 : vector<16xf32>
    }
    %scan3A_74 = arith.constant 128 : i32
    %swap3A = arith.constant 0 : index
    %swap3A_75 = tpu.vector_load %arg10[%swap3A] {strides = array<i32>} : memref<16xf32, #tpu.memory_space<vmem>>, vector<16xf32>,
    tpu.vector_store %arg10[%swap3A], %scan3A_73 {strides = array<i32>} : memref<16xf32, #tpu.memory_space<vmem>>, vector<16xf32>,
    "tpu.region"() ({
      %run_scoped3A = tpu.sem_alloc : memref<!tpu.dma_semaphore, #tpu.memory_space<semaphore_mem>>
      %dma_start3A_76 = arith.constant 0 : i32
      %dma_start3A_77 = tpu.memref_slice %arg5[%add3A, %dma_start3A_76] : memref<32x16xf32, #tpu.memory_space<hbm>> -> memref<1x16xf32, #tpu.memory_space<hbm>>
      %dma_start3A_78 = tpu.memref_squeeze %dma_start3A_77 : memref<1x16xf32, #tpu.memory_space<hbm>> -> memref<16xf32, #tpu.memory_space<hbm>>
      %dma_start3A_79 = arith.constant 0 : i32
      %dma_start3A_80 = tpu.memref_slice %arg5[%add3A, %dma_start3A_79] : memref<32x16xf32, #tpu.memory_space<hbm>> -> memref<1x16xf32, #tpu.memory_space<hbm>>
      %dma_start3A_81 = tpu.memref_squeeze %dma_start3A_80 : memref<1x16xf32, #tpu.memory_space<hbm>> -> memref<16xf32, #tpu.memory_space<hbm>>
      tpu.enqueue_dma source(%arg10 : memref<16xf32, #tpu.memory_space<vmem>>) target(%dma_start3A_81 : memref<16xf32, #tpu.memory_space<hbm>>) target_semaphore(%run_scoped3A : memref<!tpu.dma_semaphore, #tpu.memory_space<semaphore_mem>>)
      %dma_wait3A_82 = arith.constant 0 : i32
      %dma_wait3A_83 = tpu.memref_slice %arg5[%add3A, %dma_wait3A_82] : memref<32x16xf32, #tpu.memory_space<hbm>> -> memref<1x16xf32, #tpu.memory_space<hbm>>
      %dma_wait3A_84 = tpu.memref_squeeze %dma_wait3A_83 : memref<1x16xf32, #tpu.memory_space<hbm>> -> memref<16xf32, #tpu.memory_space<hbm>>
      %dma_wait3A_85 = arith.constant 0 : i32
      %dma_wait3A_86 = tpu.memref_slice %arg5[%add3A, %dma_wait3A_85] : memref<32x16xf32, #tpu.memory_space<hbm>> -> memref<1x16xf32, #tpu.memory_space<hbm>>
      %dma_wait3A_87 = tpu.memref_squeeze %dma_wait3A_86 : memref<1x16xf32, #tpu.memory_space<hbm>> -> memref<16xf32, #tpu.memory_space<hbm>>
      tpu.wait_dma2 semaphore(%run_scoped3A : memref<!tpu.dma_semaphore, #tpu.memory_space<semaphore_mem>>) src(%arg10 : memref<16xf32, #tpu.memory_space<vmem>>) dst(%dma_wait3A_87 : memref<16xf32, #tpu.memory_space<hbm>>)
      tpu.yield
    }) : () -> ()
    return
  }
}

</mosaic_0001>

<sc_bundles>
// kernel: kernel.3.cloned.1.call-start
scs
__scs_entry_jumppad:
0x0: {  	(pc) =	sbr.rel $0x88, $3  }
0x1: {  	(tag) =	ssettag $0x0;
	lr =	simm.s32 $0x1  }
0x2: {  	[smem:$0x3F9E] =	sst lr;
	_ =	strace $0xD0000000  }
0x3: {  	_ = 	snop  }
0x4: {  	_ = 	snop  }
0x5: {  	_ = 	snop  }
0x6: {  	_ = 	snop  }
0x7: {  	_ = 	snop  }
__scs_overlays_trampoline_lowered:
0x8: {  	[smem:$0x3FAD] =	sst s0  }
0x9: {  	[smem:$0x3FAE] =	sst s1  }
0xa: {  	[smem:$0x3FAF] =	sst s2  }
0xb: {  	[smem:$0x3FB0] =	sst s3  }
0xc: {  	[smem:$0x3FB1] =	sst s4  }
0xd: {  	[smem:$0x3FB2] =	sst s5  }
0xe: {  	[smem:$0x3FB3] =	sst s6  }
0xf: {  	[smem:$0x3FB4] =	sst s7  }
0x10: {  	[smem:$0x3FB5] =	sst s8  }
0x11: {  	[smem:$0x3FB6] =	sst s9;
	s0 =	simm.s32 @!p0 $0x0  }
0x12: {  	s1 =	sld [smem:$0x3F9C];
	s0 =	simm.s32 @p0 $0x1  }
0x13: {  	[smem:$0x3FB7] =	sst s0;
	s0 =	simm.s32 @!p1 $0x0  }
0x14: {  	s2 =	sld [smem:$0x3F9B];
	s0 =	simm.s32 @p1 $0x1  }
0x15: {  	[smem:$0x3FB8] =	sst s0;
	s0 =	simm.s32 @!p2 $0x0  }
0x16: {  	s3 =	sld [smem:$0x3FDB];
	s0 =	simm.s32 @p2 $0x1  }
0x17: {  	s4 =	simm.s32 $0x1BF5;
	[smem:$0x3FBA] =	sst s0  }
0x18: {  	s0 =	sld [smem:$0x3F9D];
	_ =	swait.ge [sflag:s4], $0x0  }
0x19: {  	s7 =	sld [smem:$0x3F9E]  }
0x1a: {  	s8 =	sadd.s32 $0xFFFFE003, lr  }
0x1b: {  	s9 =	sadd.s32 $0xFFFFFEF7, lr;
	s5 =	simm.s32 $0xFFFFFFFF;
	p2 =	slt.u32 s8, $0xFFFFF086  }
0x1c: {  	p1 =	slt.u32 s9, $0xF7A;
	s5 =	simm.s32 @!p2 $0x0  }
0x1d: {  	s5 =	simm.s32 @p1 $0x1;
	p0 =	seq.s32 s7, s2  }
0x1e: {  	s7 =	smul.u32 @!p0 $0xF7A, s2;
	p2 =	seq.s32 @!p0 s5, $0x0  }
0x1f: {  	s9 =	smul.u32 $0xF7A, s1;
	s8 =	simm.s32 @!p0 $0x1BF5;
	p2 =	por !p2, p0  }
0x20: {  	[sflag:s8] =	ssyncset.s32 @!p0 $0xFFFFF086;
	s6 =	sadd.s32 @!p0 s3, s7;
	s7 =	simm.s32 @!p0 $0x108  }
0x21: {  	s3 =	sadd.s32 s3, s9;
	s6 =	sadd.s32 @!p0 $0x88, s6;
	s7 =	simm.s32 @p2 $0x1082  }
0x22: {  	[simem:s7], [sflag:s8] =	dma.local @!p0 [hbm:s6], $0xF7A  }
0x23: {  	s9 =	sor.u32 $0xD0000000, s2;
	s6 =	simm.s32 $0x108;
	_ =	swait.ge @!p0 [sflag:s8], $0x0  }
0x24: {  	s3 =	sadd.s32 $0x88, s3;
	s6 =	simm.s32 @!p1 $0x1082;
	[sflag:s4] =	ssyncset.s32 $0xFFFFF086  }
0x25: {  	[simem:s6], [sflag:s4] =	dma.local [hbm:s3], $0xF7A  }
0x26: {  	[smem:$0x3F9E] =	sst s1;
	(tag) =	ssettag s2;
	_ =	strace s9  }
0x27: {  	s1 =	sld [smem:$0x3FAE]  }
0x28: {  	s2 =	sld [smem:$0x3FAF]  }
0x29: {  	s4 =	sld [smem:$0x3FB1]  }
0x2a: {  	p0 =	seq.s32 s5, $0x0;
	s5 =	sld [smem:$0x3FB2]  }
0x2b: {  	s6 =	sld [smem:$0x3FB3]  }
0x2c: {  	s7 =	sld [smem:$0x3FB4]  }
0x2d: {  	s3 =	simm.s32 $0x108;
	s8 =	sld [smem:$0x3FB5]  }
0x2e: {  	s3 =	simm.s32 @!p0 $0x1082;
	s9 =	sld [smem:$0x3FB6]  }
0x2f: {  	lr =	sadd.s32 s0, s3;
	s0 =	sld [smem:$0x3FAD]  }
0x30: {  	s3 =	sld [smem:$0x3FB0]  }
0x31: {  	[smem:$0x3FB9] =	sst s10  }
0x32: {  	s10 =	sld [smem:$0x3FB7];
	_ =	sdelay $0x3  }
0x33: {  	p0 =	seq.s32 s10, $0x1;
	s10 =	sld [smem:$0x3FB9];
	_ =	sdelay $0x3  }
0x34: {  	[smem:$0x3FB9] =	sst s10  }
0x35: {  	s10 =	sld [smem:$0x3FB8];
	_ =	sdelay $0x3  }
0x36: {  	p1 =	seq.s32 s10, $0x1;
	s10 =	sld [smem:$0x3FB9];
	_ =	sdelay $0x3  }
0x37: {  	[smem:$0x3FB9] =	sst s10  }
0x38: {  	s10 =	sld [smem:$0x3FBA]  }
0x39: {  	_ = 	snop;
	(pc) =	sbr.ind lr, $3  }
0x3a: {  	_ = 	snop  }
0x3b: {  	_ = 	snop  }
0x3c: {  	p2 =	seq.s32 s10, $0x1;
	s10 =	sld [smem:$0x3FB9]  }
0x3d: {  	_ =	shalt  }
0x3e: {  	_ =	shalt  }
0x3f: {  	_ =	shalt  }
0x40: {  	_ =	shalt  }
0x41: {  	_ =	shalt  }
0x42: {  	_ =	shalt  }
0x43: {  	_ =	shalt  }
0x44: {  	_ =	shalt  }
0x45: {  	_ =	shalt  }
0x46: {  	_ =	shalt  }
0x47: {  	_ =	shalt  }
0x48: {  	_ =	shalt  }
0x49: {  	_ =	shalt  }
0x4a: {  	_ =	shalt  }
0x4b: {  	_ =	shalt  }
0x4c: {  	_ =	shalt  }
0x4d: {  	_ =	shalt  }
0x4e: {  	_ =	shalt  }
0x4f: {  	_ =	shalt  }
0x50: {  	_ =	shalt  }
0x51: {  	_ =	shalt  }
0x52: {  	_ =	shalt  }
0x53: {  	_ =	shalt  }
0x54: {  	_ =	shalt  }
0x55: {  	_ =	shalt  }
0x56: {  	_ =	shalt  }
0x57: {  	_ =	shalt  }
0x58: {  	_ =	shalt  }
0x59: {  	_ =	shalt  }
0x5a: {  	_ =	shalt  }
0x5b: {  	_ =	shalt  }
0x5c: {  	_ =	shalt  }
0x5d: {  	_ =	shalt  }
0x5e: {  	_ =	shalt  }
0x5f: {  	_ =	shalt  }
0x60: {  	_ =	shalt  }
0x61: {  	_ =	shalt  }
0x62: {  	_ =	shalt  }
0x63: {  	_ =	shalt  }
0x64: {  	_ =	shalt  }
0x65: {  	_ =	shalt  }
0x66: {  	_ =	shalt  }
0x67: {  	_ =	shalt  }
0x68: {  	_ =	shalt  }
0x69: {  	_ =	shalt  }
0x6a: {  	_ =	shalt  }
0x6b: {  	_ =	shalt  }
0x6c: {  	_ =	shalt  }
0x6d: {  	_ =	shalt  }
0x6e: {  	_ =	shalt  }
0x6f: {  	_ =	shalt  }
0x70: {  	_ =	shalt  }
0x71: {  	_ =	shalt  }
0x72: {  	_ =	shalt  }
0x73: {  	_ =	shalt  }
0x74: {  	_ =	shalt  }
0x75: {  	_ =	shalt  }
0x76: {  	_ =	shalt  }
0x77: {  	_ =	shalt  }
0x78: {  	_ =	shalt  }
0x79: {  	_ =	shalt  }
0x7a: {  	_ =	shalt  }
0x7b: {  	_ =	shalt  }
0x7c: {  	_ =	shalt  }
0x7d: {  	_ =	shalt  }
0x7e: {  	_ =	shalt  }
0x7f: {  	_ =	shalt  }
0x80: {  	_ =	shalt  }
0x81: {  	_ =	shalt  }
0x82: {  	_ =	shalt  }
0x83: {  	_ =	shalt  }
0x84: {  	_ =	shalt  }
0x85: {  	_ =	shalt  }
0x86: {  	_ =	shalt  }
0x87: {  	_ =	shalt  }
.Lfunc_end0:
.L_simem_size_0:
called_computation_lowered:
.L_overlay_start_0:
0x88: {  	s2 =	sld [smem:$0x3FD9]  }
0x89: {  	s3 =	sld [smem:$0x3FFE];
	_ =	sdelay $0x1  }
0x8a: {  	s1 =	srdreg.scid  }
0x8b: {  	s0 =	sand.u32 $0x1, s1  }
0x8c: {  	s16 =	sshll.u32 s0, $0xA;
	s2 =	sadd.s32 s3, s2  }
0x8d: {  	s2 =	sadd.s32 s2, s16  }
0x8e: {  	[smem:$0x3FC5] =	sst s2  }
0x8f: {  	_ = 	snop  }
0x90: {  	(tm) =	ssettm $0x1  }
0x91: {  	s17 =	sld [smem:$0x3FFB];
	_ =	sdelay $0x3  }
0x92: {  	_ =	strace s17  }
0x93: {  	s2 =	sld [smem:$0x3FFC];
	_ =	sdelay $0x3  }
0x94: {  	_ =	strace s2  }
0x95: {  	s2 =	sld [smem:$0x3FFD];
	_ =	sdelay $0x3  }
0x96: {  	_ =	strace s2  }
0x97: {  	_ =	strace $0x8FFFFFFF  }
0x98: {  	s18 =	sld [smem:$0x3FDB];
	_ =	sdelay $0x1  }
0x99: {  	s19 =	simm.s32 $_scs_section_size  }
0x9a: {  	s4 =	simm.s32 $_size__tile_overlayer_lowered;
	s5 =	simm.s32 $_tile_overlayer_lowered  }
0x9b: {  	s22 =	simm.s32 $0x1BFF;
	s21 =	sshll.u32 s5, $0x1;
	s2 =	sadd.s32 s19, s18  }
0x9c: {  	s6 =	simm.s32 $0x0;
	s20 =	sshll.u32 s4, $0x1;
	s4 =	sadd.s32 s21, s2  }
0x9d: {  	[timem:s6], [sflag:s22] =	dma.local [hbm:s4], s20  }
0x9e: {  	_ =	swait.ge [sflag:s22], s20  }
0x9f: {  	s3 =	ssub.s32 $0x0, s20;
	[sflag:s22] =	ssyncset.done $0x0  }
0xa0: {  	[sflag:s22] =	ssyncadd.s32 s3;
	_ =	sdelay $0x1  }
0xa1: {  	s23 =	simm.s32 $0x1B8B  }
0xa2: {  	_ =	swait.ge [sflag:s23], $0x1  }
0xa3: {  	[sflag:s23] =	ssyncset.done $0x0  }
0xa4: {  	s25 =	simm.s32 $0x1B8E;
	s24 =	sld [smem:$0x3FFE];
	[sflag:s23] =	ssyncadd.s32 $0xFFFFFFFF  }
0xa5: {  	s26 =	simm.s32 $execute0_lowered;
	[smem:$0x3FD2] =	sst s25  }
0xa6: {  	s4 =	sshll.u32 s26, $0x1;
	_ =	strace $0x80000046;
	[dreg:$0x1] =	wrdreg $0xFFFFFFFF  }
0xa7: {  	s28 =	simm.s32 $_size_execute0_lowered;
	s2 =	sadd.s32 s2, s4;
	[dreg:$0x0] =	wrdreg $0x0  }
0xa8: {  	s4 =	sshll.u32 s28, $0x1;
	[dreg:$0x2] =	wrdreg s2  }
0xa9: {  	[dreg:$0x3] =	wrdreg s4  }
0xaa: {  	[dreg:$0x4] =	wrdreg $0xC0  }
0xab: {  	_ =	task [dreg:s6], $0x5FFFF  }
0xac: {  	[dreg:$0x1] =	wrdreg $0xFFFFFFFF  }
0xad: {  	[dreg:$0x0] =	wrdreg $0x60  }
0xae: {  	[dreg:$0x2] =	wrdreg s24  }
0xaf: {  	[dreg:$0x3] =	wrdreg $0x9  }
0xb0: {  	_ =	task.clear_ibuf [dreg:s6], $0x4FFFF;
	_ =	strace $0x90000046  }
0xb1: {  	s29 =	simm.s32 $0x9;
	_ =	strace $0x80000048  }
0xb2: {  	_ =	swait.ge [sflag:s29], $0x1  }
0xb3: {  	[sflag:s29] =	ssyncadd.s32 $0xFFFFFFFF  }
0xb4: {  	_ =	strace $0x90000048  }
0xb5: {  	_ =	sfence  }
0xb6: {  	s30 =	sld [smem:$0x0];
	_ =	sdelay $0x2  }
0xb7: {  	s31 =	sshll.u32 s1, $0xD;
	s1 =	sshrl.u32 s1, $0x2  }
0xb8: {  	s3 =	sand.u32 $0x4000, s31;
	s1 =	sadd.s32 s1, s30  }
0xb9: {  	s0 =	sor.u32 s3, s0;
	s1 =	sshll.u32 s1, $0x11  }
0xba: {  	s0 =	sor.u32 s1, s0  }
0xbb: {  	s0 =	sadd.s32 $0x8F2B, s0  }
0xbc: {  	[sflag:s0] =	ssyncadd.remote.s32 $0x1  }
0xbd: {  	_ =	sfence.sel $0xFFFF  }
0xbe: {  	[dreg:$0x0] =	wrdreg $0xFFFFFFFF;
	(pc) =	sbr.abs _section_cstart, $3  }
0xbf: {  	[dreg:$0x1] =	wrdreg $0xFFFFFFFF  }
0xc0: {  	_ =	task.clear_ibuf [dreg:s6], $0x2FFFF;
	_ =	strace $0x9FFFFFFF  }
0xc1: {  	(tm) =	ssettm $0x7FFFFFFF  }
tec
execute0_lowered:
.L_overlay_start_1:
0x0: {  	(tag) =	ssettag $0x1  }
0x1: {  	s0 =	rddreg [dreg:$0x0]  }
0x2: {  	s3 =	srdreg.scid;
	s1 =	stileid.u32;
	s2 =	simm.s32 $0x0  }
0x3: {  	s15 =	simm.s32 $0x800;
	s16 =	simm.s32 $0x3;
	s17 =	simm.s32 $0x1000  }
0x4: {  	s18 =	simm.s32 $0x1800;
	s19 =	simm.s32 $0x2000;
	s20 =	simm.s32 $0x2800  }
0x5: {  	s21 =	simm.s32 $0x3000;
	s22 =	simm.s32 $0x3800;
	s23 =	simm.s32 $0x4000  }
0x6: {  	s24 =	simm.s32 $0x4800;
	s25 =	simm.s32 $0x1;
	s26 =	simm.s32 $0x2  }
0x7: {  	s28 =	simm.s32 $0x5000;
	s29 =	simm.s32 $0x4;
	s30 =	simm.s32 $0x0  }
0x8: {  	s4 =	sand.u32 $0x1, s3;
	s31 =	sshll.u32 s1, $0x1;
	[smem:$0x7FF] =	sst s2  }
0x9: {  	s9 =	sadd.s32 $0xD47C, s0;
	s10 =	sadd.s32 $0x136D4, s0;
	s11 =	sadd.s32 $0x167A8, s0  }
0xa: {  	s12 =	sadd.s32 $0x1987C, s0;
	s5 =	sor.u32 s4, s31;
	_ =	strace $0x80000047  }
0xb: {  	s7 =	ssub.s32 $0x2, s4;
	s4 =	sadd.s32 $0x10600, s0;
	s3 =	sshll.u32 s5, $0x8  }
0xc: {  	s5 =	sshll.u32 s5, $0x1;
	s8 =	sshrl.u32 s7, $0x1;
	s6 =	sadd.s32 s3, s0  }
0xd: {  	s3 =	sadd.s32 $0x4200, s0;
	s13 =	sadd.s32 s5, s0;
	s14 =	ssub.s32 s7, s8  }
0xe: {  	s7 =	sadd.s32 $0x72D4, s0;
	s8 =	sadd.s32 $0xA3A8, s0;
	s5 =	sadd.s32 $0x200, s6  }
0xf: {  	s6 =	sadd.s32 $0x2200, s6;
	s13 =	sadd.s32 $0x1CA00, s13;
	s14 =	smax.u32 s14, $0x1  }
.LBB2_1:
0x10: {  	[tilespmem:s2], [sflag:$0x3] =	stream.linear.gather [hbm4b:s5+s2], $0x800, $0x38;
	[tilespmem:$0x5010] =	vst v63  }
0x11: {  	_ = 	snop  }
0x12: {  	[tilespmem:s15], [sflag:$0x3] =	stream.linear.gather [hbm4b:s6+s2], $0x800, $0x38;
	[tilespmem:$0x5010] =	vst v63  }
0x13: {  	_ =	swait.ge [sflag:s16], $0x800  }
0x14: {  	[sflag:s16] =	ssyncset.done $0x0  }
0x15: {  	[sflag:s16] =	ssyncadd.s32 $0xFFFFF800  }
0x16: {  	[tilespmem:s17], [sflag:$0x1] =	stream.indirect.gather [hbm4b:s3+s15], $0x1, s2, s15, $0xb8;
	[tilespmem:$0x5010] =	vst v63  }
0x17: {  	_ = 	snop  }
0x18: {  	[tilespmem:s18], [sflag:$0x1] =	stream.indirect.gather [hbm4b:s7+s15], $0x1, s2, s15, $0xb8;
	[tilespmem:$0x5010] =	vst v63  }
0x19: {  	_ = 	snop  }
0x1a: {  	[tilespmem:s19], [sflag:$0x1] =	stream.indirect.gather [hbm4b:s8+s15], $0x1, s2, s15, $0xb8;
	[tilespmem:$0x5010] =	vst v63  }
0x1b: {  	_ = 	snop  }
0x1c: {  	[tilespmem:s20], [sflag:$0x1] =	stream.indirect.gather [hbm4b:s9+s15], $0x1, s2, s15, $0xb8;
	[tilespmem:$0x5010] =	vst v63  }
0x1d: {  	_ =	swait.ge [sflag:s16], $0x800  }
0x1e: {  	[sflag:s16] =	ssyncset.done $0x0  }
0x1f: {  	[sflag:s16] =	ssyncadd.s32 $0xFFFFF800  }
0x20: {  	[tilespmem:s21], [sflag:$0x2] =	stream.indirect.gather [hbm4b:s4+s15], $0x1, s15, s15, $0xb8;
	[tilespmem:$0x5010] =	vst v63  }
0x21: {  	_ = 	snop  }
0x22: {  	[tilespmem:s22], [sflag:$0x2] =	stream.indirect.gather [hbm4b:s10+s15], $0x1, s15, s15, $0xb8;
	[tilespmem:$0x5010] =	vst v63  }
0x23: {  	_ = 	snop  }
0x24: {  	[tilespmem:s23], [sflag:$0x2] =	stream.indirect.gather [hbm4b:s11+s15], $0x1, s15, s15, $0xb8;
	[tilespmem:$0x5010] =	vst v63  }
0x25: {  	_ = 	snop  }
0x26: {  	[tilespmem:s24], [sflag:$0x2] =	stream.indirect.gather [hbm4b:s12+s15], $0x1, s15, s15, $0xb8;
	[tilespmem:$0x5010] =	vst v63  }
0x27: {  	_ =	swait.ge [sflag:s25], $0x2000  }
0x28: {  	[sflag:s25] =	ssyncset.done $0x0  }
0x29: {  	[sflag:s25] =	ssyncadd.s32 $0xFFFFE000  }
0x2a: {  	_ =	swait.ge [sflag:s26], $0x2000  }
0x2b: {  	[sflag:s26] =	ssyncset.done $0x0  }
0x2c: {  	s0 =	simm.s32 $0x0;
	[sflag:s26] =	ssyncadd.s32 $0xFFFFE000  }
0x2d: {  	v0 =	vld [tilespmem:s0+$0x1000]  }
0x2e: {  	v4 =	vld [tilespmem:s0+$0x1800]  }
0x2f: {  	v5 =	vld [tilespmem:s0+$0x3000]  }
0x30: {  	v6 =	vld [tilespmem:s0+$0x3800]  }
0x31: {  	v7 =	vld [tilespmem:s0+$0x4000]  }
0x32: {  	v8 =	vld [tilespmem:s0+$0x4800]  }
0x33: {  	v10 =	vld [tilespmem:s0+$0x2000]  }
0x34: {  	s31 =	simm.s32 $0x10;
	v1 =	vld [tilespmem:s0+$0x2800]  }
0x35: {  	v2 =	vld [tilespmem:s31+$0x1000];
	v9 =	vsub.f32 v0, v5  }
0x36: {  	v3 =	vld [tilespmem:s31+$0x1800];
	v11 =	vsub.f32 v4, v6;
	v7 =	vadd.f32 v7, v5  }
0x37: {  	v0 =	vimm.f32 $0.0e+00;
	v5 =	vld [tilespmem:s31+$0x3000];
	v6 =	vadd.f32 v8, v6  }
0x38: {  	s0 =	simm.s32 $0x80;
	v4 =	vld [tilespmem:s31+$0x3800];
	v8 =	vand.u32 $0x7FFFFFFF, v9;
	v9 =	vand.u32 $0x7FFFFFFF, v11;
	v7 =	vsub.f32 v10, v7  }
.LBB2_2:
0x39: {  	p0 =	sne.s32 s0, $0x1FC0;
	v10 =	vld [tilespmem:s31+$0x4000];
	v8 =	vadd.f32 v9, v8  }
0x3a: {  	v6 =	vsub.f32 v1, v6;
	v9 =	vld [tilespmem:s31+$0x4800];
	v7 =	vand.u32 $0x7FFFFFFF, v7  }
0x3b: {  	v11 =	vld [tilespmem:s31+$0x2000];
	v7 =	vadd.f32 v7, v8  }
.Ltmp0:
0x3c: {  	v6 =	vand.u32 $0x7FFFFFFF, v6;
	v1 =	vld [tilespmem:s31+$0x2800];
	s31 =	sshra.s32 s0, $0x2;
	(pc) =	sbr.rel @p0 .LBB2_2-.Ltmp0, $4  }
0x3d: {  	v8 =	vsub.f32 v2, v5;
	v2 =	vld [tilespmem:s31+$0x1000];
	v7 =	vadd.f32 v6, v7  }
0x3e: {  	v12 =	vsub.f32 v3, v4;
	v3 =	vld [tilespmem:s31+$0x1800];
	v10 =	vadd.f32 v10, v5  }
0x3f: {  	v5 =	vld [tilespmem:s31+$0x3000];
	v6 =	vadd.f32 v9, v4;
	v0 =	vadd.f32 v7, v0  }
0x40: {  	s0 =	sadd.s32 $0x40, s0;
	v8 =	vand.u32 $0x7FFFFFFF, v8;
	v9 =	vand.u32 $0x7FFFFFFF, v12;
	v4 =	vld [tilespmem:s31+$0x3800];
	v7 =	vsub.f32 v11, v10  }
0x41: {  	v10 =	vld [tilespmem:s31+$0x4000]  }
0x42: {  	v11 =	vld [tilespmem:s31+$0x4800]  }
0x43: {  	v12 =	vld [tilespmem:s31+$0x2000];
	_ =	sdelay $0x1  }
0x44: {  	v8 =	vadd.f32 v9, v8;
	v57 =	vld [tilespmem:s31+$0x2800];
	v2 =	vsub.f32 v2, v5  }
0x45: {  	v3 =	vsub.f32 v3, v4;
	v58 =	vadd.f32 v10, v5  }
0x46: {  	v1 =	vsub.f32 v1, v6;
	v59 =	vand.u32 $0x7FFFFFFF, v7;
	v60 =	vadd.f32 v11, v4  }
0x47: {  	v2 =	vand.u32 $0x7FFFFFFF, v2;
	v3 =	vand.u32 $0x7FFFFFFF, v3;
	v5 =	vsub.f32 v12, v58  }
0x48: {  	v6 =	vadd.f32 v59, v8;
	v2 =	vadd.f32 v3, v2  }
0x49: {  	v1 =	vand.u32 $0x7FFFFFFF, v1;
	v4 =	vsub.f32 v57, v60;
	v61 =	vand.u32 $0x7FFFFFFF, v5  }
0x4a: {  	v1 =	vadd.f32 v1, v6;
	v2 =	vadd.f32 v61, v2  }
0x4b: {  	v62 =	vand.u32 $0x7FFFFFFF, v4  }
0x4c: {  	v0 =	vadd.f32 v1, v0;
	v63 =	vadd.f32 v62, v2;
	_ =	sdelay $0x1  }
0x4d: {  	s30 =	sadd.s32 $0x1, s30;
	v0 =	vadd.f32 v63, v0  }
0x4e: {  	p0 =	sne.s32 s30, s14  }
.Ltmp1:
0x4f: {  	[tilespmem:$0x5000] =	vst v0;
	(pc) =	sbr.rel @p0 .LBB2_1-.Ltmp1, $4  }
0x50: {  	[hbm4b:s13+s2] =	stream.linear.scatter [tilespmem:s28], [sflag:$0x4], $0x10, $0x38;
	[tilespmem:$0x5010] =	vst v63  }
0x51: {  	_ =	swait.ge [sflag:s29], $0x10  }
0x52: {  	[sflag:s29] =	ssyncset.done $0x0  }
0x53: {  	[sflag:s29] =	ssyncadd.s32 $0xFFFFFFF0  }
0x54: {  	_ =	sfence.sel $0x180000  }
0x55: {  	[bflag:$0x0] =	sbarrier.arrive $0xFFFF  }
0x56: {  	_ =	strace $0x90000047  }
0x57: {  	[bflag:$0x2] =	sbarrier.arrive $0xFFFF  }
0x58: {  	p0 =	sne.s32 s1, $0x0;
	s0 =	rddreg [dreg:$0x1]  }
0x59: {  	s0 =	sadd.s32 @!p0 $0x100000, s0  }
0x5a: {  	[sflag:s0] =	ssyncadd.tile.s32 @!p0 $0x1;
	_ =	shalt  }
.Lfunc_end2:
_tile_overlayer_lowered:
.L_overlay_start_2:
0x5b: {  	(tag) =	ssettag $0x2  }
0x5c: {  	s0 =	rddreg [dreg:$0x0];
	s2 =	stileid.u32  }
0x5d: {  	s1 =	rddreg [dreg:$0x1];
	p0 =	sne.s32 s2, $0x0  }
0x5e: {  	s3 =	rddreg [dreg:$0x2];
	[bflag:$0x3] =	sbarrier.arrive $0xFFFF;
	s2 =	simm.s32 @!p0 $0x1C04  }
0x5f: {  	[timem:s3], [sflag:s2] =	dma.local @!p0 [hbm:s0], s1  }
0x60: {  	s0 =	simm.s32 @!p0 $0x4  }
0x61: {  	_ =	swait.ge @!p0 [sflag:s0], s1  }
0x62: {  	s1 =	ssub.s32 @!p0 $0x0, s1;
	[sflag:s0] =	ssyncset.done @!p0 $0x0  }
0x63: {  	[sflag:s0] =	ssyncadd.s32 @!p0 s1  }
0x64: {  	[bflag:$0x3] =	sbarrier.arrive $0xFFFF  }
0x65: {  	_ =	shalt  }

</sc_bundles>
